<compile_context>
chip_gen: v7x
topology: tpu7x:2x2x1
jax: 0.10.2.dev20260603
libtpu: 0.0.44.dev20260713+nightly
codegen_flags: <defaults>
</compile_context>

<pallas_src>
import functools

import jax
import jax.numpy as jnp
from jax import lax
from jax.experimental import pallas as pl
from jax.experimental.pallas import tpu as pltpu
from jax.experimental.pallas import tpu_sc as plsc

_NEG_INF = float("-inf")
_I32_MAX = jnp.iinfo(jnp.int32).max


def _top3(cand_v, cand_i):
    vs, ids = [], []
    for t in range(3):
        m = jnp.max(cand_v, axis=1, keepdims=True)
        sel = jnp.min(jnp.where(cand_v == m, cand_i, _I32_MAX),
                      axis=1, keepdims=True)
        vs.append(m)
        ids.append(sel)
        if t < 2:
            cand_v = jnp.where(cand_i == sel, _NEG_INF, cand_v)
    return vs, ids


def _dist_topk_body(x_ref, e_ref, x2_ref, e2_ref, dist_ref, cv_ref, ci_ref,
                    *, bm, bn, scr, nn):
    j = pl.program_id(0)

    xe = lax.dot_general(
        x_ref[...], e_ref[...],
        dimension_numbers=(((1,), (1,)), ((), ())),
        preferred_element_type=jnp.float32)
    d_tile = -((x2_ref[...] - 2.0 * xe) + e2_ref[...])
    dist_ref[...] = d_tile

    liota = lax.broadcasted_iota(jnp.int32, (1, bn), 1).astype(jnp.float32)
    dd = d_tile
    tvs, tsel = [], []
    for t in range(3):
        m = jnp.max(dd, axis=1, keepdims=True)
        sel = jnp.min(jnp.where(dd == m, liota, jnp.inf),
                      axis=1, keepdims=True)
        tvs.append(m)
        tsel.append(sel)
        if t < 2:
            dd = jnp.where(liota == sel, _NEG_INF, dd)
    tis = [s.astype(jnp.int32) + j * bn for s in tsel]

    pad_v = jnp.full((bm, scr - 3), _NEG_INF, jnp.float32)
    pad_i = jnp.full((bm, scr - 3), _I32_MAX, jnp.int32)
    cv_ref[...] = jnp.concatenate(tvs + [pad_v], axis=1)[None]
    ci_ref[...] = jnp.concatenate(tis + [pad_i], axis=1)[None]


def _merge_body(k_ref, cv_ref, ci_ref, ind_ref, *, nn, scr):
    cv = jnp.concatenate([cv_ref[jj] for jj in range(nn)], axis=1)
    ci = jnp.concatenate([ci_ref[jj] for jj in range(nn)], axis=1)
    _, mis = _top3(cv, ci)
    bm = cv.shape[0]
    kk = k_ref[0]
    ind = jnp.where(kk <= 0, mis[0], jnp.where(kk == 1, mis[1], mis[2]))
    ind_ref[...] = jnp.concatenate(
        [ind, jnp.zeros((bm, scr - 1), jnp.int32)], axis=1)


def _dist_topk(flat, e, x2, e2, k, *, bm=1024, bn=2048, interpret=False):
    bnrows, d = flat.shape
    kk = e.shape[0]
    nm, nn = bnrows // bm, kk // bn
    scr = 8
    body = functools.partial(_dist_topk_body, bm=bm, bn=bn, scr=scr, nn=nn)
    dist2d, cv, ci = pl.pallas_call(
        body,
        grid=(nn, nm),
        in_specs=[
            pl.BlockSpec((bm, d), lambda j, i: (i, 0)),
            pl.BlockSpec((bn, d), lambda j, i: (j, 0)),
            pl.BlockSpec((bm, 1), lambda j, i: (i, 0)),
            pl.BlockSpec((1, bn), lambda j, i: (0, j)),
        ],
        out_specs=[
            pl.BlockSpec((bm, bn), lambda j, i: (i, j)),
            pl.BlockSpec((1, bm, scr), lambda j, i: (j, i, 0)),
            pl.BlockSpec((1, bm, scr), lambda j, i: (j, i, 0)),
        ],
        out_shape=[
            jax.ShapeDtypeStruct((bnrows, kk), jnp.float32),
            jax.ShapeDtypeStruct((nn, bnrows, scr), jnp.float32),
            jax.ShapeDtypeStruct((nn, bnrows, scr), jnp.int32),
        ],
        interpret=interpret,
    )(flat, e, x2, e2)

    mbody = functools.partial(_merge_body, nn=nn, scr=scr)
    k_arr = jnp.asarray(k, jnp.int32).reshape(1)
    bm2 = min(bnrows, 2 * bm)
    ind8 = pl.pallas_call(
        mbody,
        grid=(bnrows // bm2,),
        in_specs=[
            pl.BlockSpec(memory_space=pltpu.SMEM),
            pl.BlockSpec((nn, bm2, scr), lambda i: (0, i, 0)),
            pl.BlockSpec((nn, bm2, scr), lambda i: (0, i, 0)),
        ],
        out_specs=pl.BlockSpec((bm2, scr), lambda i: (i, 0)),
        out_shape=jax.ShapeDtypeStruct((bnrows, scr), jnp.int32),
        interpret=interpret,
    )(k_arr, cv, ci)
    return dist2d, ind8[:, 0]


def _sc_gather(table, idx):
    v, d = table.shape
    b = idx.shape[0]
    info = plsc.get_sparse_core_info()
    nc, ns = info.num_cores, info.num_subcores
    nw = nc * ns
    b_per_w = b // nw
    mesh = plsc.VectorSubcoreMesh(core_axis_name="c", subcore_axis_name="s")

    h = b_per_w // 2

    @functools.partial(
        pl.kernel, mesh=mesh,
        out_type=jax.ShapeDtypeStruct((b, d), jnp.float32),
        scratch_types=[
            pltpu.VMEM((h,), jnp.int32),
            pltpu.VMEM((h,), jnp.int32),
            pltpu.VMEM((h, d), jnp.float32),
            pltpu.VMEM((h, d), jnp.float32),
            pltpu.SemaphoreType.DMA,
            pltpu.SemaphoreType.DMA,
            pltpu.SemaphoreType.DMA,
            pltpu.SemaphoreType.DMA,
        ],
    )
    def gather_k(table_hbm, idx_hbm, out_hbm, idx_v0, idx_v1, rows_v0,
                 rows_v1, sg0, sg1, sw0, sw1):
        wid = lax.axis_index("s") * nc + lax.axis_index("c")
        base = wid * b_per_w
        pltpu.sync_copy(idx_hbm.at[pl.ds(base, h)], idx_v0)
        g0 = pltpu.async_copy(table_hbm.at[idx_v0], rows_v0, sg0)
        pltpu.sync_copy(idx_hbm.at[pl.ds(base + h, h)], idx_v1)
        g1 = pltpu.async_copy(table_hbm.at[idx_v1], rows_v1, sg1)
        g0.wait()
        w0 = pltpu.async_copy(rows_v0, out_hbm.at[pl.ds(base, h)], sw0)
        g1.wait()
        w1 = pltpu.async_copy(rows_v1, out_hbm.at[pl.ds(base + h, h)], sw1)
        w0.wait()
        w1.wait()

    return gather_k(table, idx)


def kernel(x, k, embed):
    b, n, d = x.shape
    kk = embed.shape[1]
    flat = x.reshape(b * n, d)
    e = embed[0]

    x2 = jnp.sum(flat ** 2, axis=-1, keepdims=True)
    e2 = jnp.sum(embed ** 2, axis=-1)

    dist2d, ind = _dist_topk(flat, e, x2, e2, k)

    quantize = _sc_gather(e, ind).reshape(b, n, d)
    embed_ind = ind.reshape(b, n)
    dist = dist2d.reshape(1, b * n, kk)
    return quantize, embed_ind, dist

# --- scband reference (transcript-rebuilt; emitter-appended) ---
"""Pipeline reference for scband-rerank-vq-46265387713142 (READ-ONLY COPY).

The authoritative reference and input builder live on the scoring server;
editing this copy changes nothing except your own understanding.
"""

import jax, jax.numpy as jnp
import numpy as np


def setup_inputs(seed: int = 0) -> dict:
    key = jax.random.key(seed)
    k1, k2 = jax.random.split(key)
    x = jax.random.normal(k1, (8, 1024, 256), dtype=jnp.float32)
    # codebook: (num_codebooks, codebook_size, dim), uniform init like the torch module
    embed = jax.random.uniform(k2, (1, 8192, 256), dtype=jnp.float32, minval=-0.02, maxval=0.02)
    return {"x": x, "k": 2, "embed": embed}


def reference(x, k, embed):
    # EuclideanCodebookTopK.forward in eval mode (deterministic: no gumbel noise,
    # no straight-through, no EMA updates). 'Rerank' VQ: picks the k-th nearest
    # code instead of the nearest (gumbel_sample_topk takes topk(k+1).indices[:, :, k]).
    needs_codebook_dim = x.ndim < 4
    xh = x[None] if needs_codebook_dim else x  # (h, b, n, d)
    h, b, n, d = xh.shape
    flatten = xh.reshape(h, b * n, d)
    # negative squared euclidean distance logits: (h, b*n, K)
    x2 = jnp.sum(flatten ** 2, axis=-1, keepdims=True)            # (h, bn, 1)
    e2 = jnp.sum(embed ** 2, axis=-1)                              # (h, K)
    xe = jnp.einsum('hid,hjd->hij', flatten, embed)                # (h, bn, K)
    dist = -(x2 - 2.0 * xe + e2[:, None, :])
    # gumbel_sample_topk (training=False path): sampling_logits = logits
    _, top_idx = jax.lax.top_k(dist, 3)                            # (h, bn, k+1); k == 2 always
    ind = jnp.take(top_idx, k, axis=2)                             # (h, bn) -- k-th best code
    # quantize: gather codes from the codebook
    quantize = jnp.take_along_axis(embed, ind[..., None], axis=1)  # (h, bn, d)
    quantize = quantize.reshape(h, b, n, d)
    embed_ind = ind.reshape(h, b, n)
    if needs_codebook_dim:
        quantize = quantize[0]
        embed_ind = embed_ind[0]
    return quantize, embed_ind, dist

if __name__ == "__main__":
    import jax
    _d = setup_inputs()
    print(jax.jit(kernel)(*tuple(_d.values())))

</pallas_src>

<mosaic_0001>
#map = affine_map<(d0, d1) -> (0, 0)>
#map1 = affine_map<(d0, d1) -> (0)>
module attributes {stable_mosaic.version = 14 : i64} {
  func.func @gather_k(%arg0: i32, %arg1: i32, %arg2: memref<8192x256xf32, #tpu.memory_space<hbm>>, %arg3: memref<8192xi32, #tpu.memory_space<hbm>>, %arg4: memref<8192x256xf32, #tpu.memory_space<hbm>>, %arg5: memref<128xi32, #tpu.memory_space<vmem>>, %arg6: memref<128xi32, #tpu.memory_space<vmem>>, %arg7: memref<128x256xf32, #tpu.memory_space<vmem>>, %arg8: memref<128x256xf32, #tpu.memory_space<vmem>>, %arg9: memref<!tpu.dma_semaphore, #tpu.memory_space<semaphore_mem>>, %arg10: memref<!tpu.dma_semaphore, #tpu.memory_space<semaphore_mem>>, %arg11: memref<!tpu.dma_semaphore, #tpu.memory_space<semaphore_mem>>, %arg12: memref<!tpu.dma_semaphore, #tpu.memory_space<semaphore_mem>>) attributes {dimension_semantics = [#tpu.dimension_semantics<core_parallel>, #tpu.dimension_semantics<subcore_parallel>], iteration_bounds = array<i64: 2, 16>, scalar_prefetch = 0 : i64, scratch_operands = 8 : i64, tpu.core_type = #tpu.core_type<sc_vector_subcore>, window_params = [{transform_indices = #map}, {transform_indices = #map1}, {transform_indices = #map}]} {
    %mul3A = arith.constant 2 : i32
    %mul3A_0 = arith.muli %arg1, %mul3A : i32
    %add3A = arith.addi %mul3A_0, %arg0 : i32
    %mul3A_1 = arith.constant 256 : i32
    %mul3A_2 = arith.muli %add3A, %mul3A_1 : i32
    "tpu.region"() ({
      %run_scoped3A = tpu.sem_alloc : memref<!tpu.dma_semaphore, #tpu.memory_space<semaphore_mem>>
      %dma_start3A_33 = tpu.memref_slice %arg3[%mul3A_2] : memref<8192xi32, #tpu.memory_space<hbm>> -> memref<128xi32, #tpu.memory_space<hbm>>
      %dma_start3A_34 = tpu.memref_slice %arg3[%mul3A_2] : memref<8192xi32, #tpu.memory_space<hbm>> -> memref<128xi32, #tpu.memory_space<hbm>>
      tpu.enqueue_dma source(%dma_start3A_34 : memref<128xi32, #tpu.memory_space<hbm>>) target(%arg5 : memref<128xi32, #tpu.memory_space<vmem>>) target_semaphore(%run_scoped3A : memref<!tpu.dma_semaphore, #tpu.memory_space<semaphore_mem>>)
      %dma_wait3A_35 = tpu.memref_slice %arg3[%mul3A_2] : memref<8192xi32, #tpu.memory_space<hbm>> -> memref<128xi32, #tpu.memory_space<hbm>>
      %dma_wait3A_36 = tpu.memref_slice %arg3[%mul3A_2] : memref<8192xi32, #tpu.memory_space<hbm>> -> memref<128xi32, #tpu.memory_space<hbm>>
      tpu.wait_dma2 semaphore(%run_scoped3A : memref<!tpu.dma_semaphore, #tpu.memory_space<semaphore_mem>>) src(%dma_wait3A_36 : memref<128xi32, #tpu.memory_space<hbm>>) dst(%arg5 : memref<128xi32, #tpu.memory_space<vmem>>)
      tpu.yield
    }) : () -> ()
    %dma_start3A = arith.constant 0 : i32
    %dma_start3A_3 = arith.constant 0 : i32
    %dma_start3A_4 = tpu.memref_slice %arg2[%dma_start3A, %dma_start3A_3] : memref<8192x256xf32, #tpu.memory_space<hbm>> -> memref<8192x256xf32, #tpu.memory_space<hbm>>
    tpu.enqueue_indirect_dma source(%dma_start3A_4 : memref<8192x256xf32, #tpu.memory_space<hbm>>) target(%arg7 : memref<128x256xf32, #tpu.memory_space<vmem>>) offsets(%arg5 : memref<128xi32, #tpu.memory_space<vmem>>) semaphore(%arg9 : memref<!tpu.dma_semaphore, #tpu.memory_space<semaphore_mem>>)
    %add3A_5 = arith.constant 128 : i32
    %add3A_6 = arith.addi %mul3A_2, %add3A_5 : i32
    "tpu.region"() ({
      %run_scoped3A = tpu.sem_alloc : memref<!tpu.dma_semaphore, #tpu.memory_space<semaphore_mem>>
      %dma_start3A_33 = tpu.memref_slice %arg3[%add3A_6] : memref<8192xi32, #tpu.memory_space<hbm>> -> memref<128xi32, #tpu.memory_space<hbm>>
      %dma_start3A_34 = tpu.memref_slice %arg3[%add3A_6] : memref<8192xi32, #tpu.memory_space<hbm>> -> memref<128xi32, #tpu.memory_space<hbm>>
      tpu.enqueue_dma source(%dma_start3A_34 : memref<128xi32, #tpu.memory_space<hbm>>) target(%arg6 : memref<128xi32, #tpu.memory_space<vmem>>) target_semaphore(%run_scoped3A : memref<!tpu.dma_semaphore, #tpu.memory_space<semaphore_mem>>)
      %dma_wait3A_35 = tpu.memref_slice %arg3[%add3A_6] : memref<8192xi32, #tpu.memory_space<hbm>> -> memref<128xi32, #tpu.memory_space<hbm>>
      %dma_wait3A_36 = tpu.memref_slice %arg3[%add3A_6] : memref<8192xi32, #tpu.memory_space<hbm>> -> memref<128xi32, #tpu.memory_space<hbm>>
      tpu.wait_dma2 semaphore(%run_scoped3A : memref<!tpu.dma_semaphore, #tpu.memory_space<semaphore_mem>>) src(%dma_wait3A_36 : memref<128xi32, #tpu.memory_space<hbm>>) dst(%arg6 : memref<128xi32, #tpu.memory_space<vmem>>)
      tpu.yield
    }) : () -> ()
    %dma_start3A_7 = arith.constant 0 : i32
    %dma_start3A_8 = arith.constant 0 : i32
    %dma_start3A_9 = tpu.memref_slice %arg2[%dma_start3A_7, %dma_start3A_8] : memref<8192x256xf32, #tpu.memory_space<hbm>> -> memref<8192x256xf32, #tpu.memory_space<hbm>>
    tpu.enqueue_indirect_dma source(%dma_start3A_9 : memref<8192x256xf32, #tpu.memory_space<hbm>>) target(%arg8 : memref<128x256xf32, #tpu.memory_space<vmem>>) offsets(%arg6 : memref<128xi32, #tpu.memory_space<vmem>>) semaphore(%arg10 : memref<!tpu.dma_semaphore, #tpu.memory_space<semaphore_mem>>)
    %dma_wait3A = arith.constant 0 : i32
    %dma_wait3A_10 = arith.constant 0 : i32
    %dma_wait3A_11 = tpu.memref_slice %arg2[%dma_wait3A, %dma_wait3A_10] : memref<8192x256xf32, #tpu.memory_space<hbm>> -> memref<8192x256xf32, #tpu.memory_space<hbm>>
    tpu.wait_indirect_dma semaphore(%arg9 : memref<!tpu.dma_semaphore, #tpu.memory_space<semaphore_mem>>) src(%dma_wait3A_11 : memref<8192x256xf32, #tpu.memory_space<hbm>>) dst(%arg7 : memref<128x256xf32, #tpu.memory_space<vmem>>)
    %dma_start3A_12 = arith.constant 0 : i32
    %dma_start3A_13 = tpu.memref_slice %arg4[%mul3A_2, %dma_start3A_12] : memref<8192x256xf32, #tpu.memory_space<hbm>> -> memref<128x256xf32, #tpu.memory_space<hbm>>
    %dma_start3A_14 = arith.constant 0 : i32
    %dma_start3A_15 = tpu.memref_slice %arg4[%mul3A_2, %dma_start3A_14] : memref<8192x256xf32, #tpu.memory_space<hbm>> -> memref<128x256xf32, #tpu.memory_space<hbm>>
    tpu.enqueue_dma source(%arg7 : memref<128x256xf32, #tpu.memory_space<vmem>>) target(%dma_start3A_15 : memref<128x256xf32, #tpu.memory_space<hbm>>) target_semaphore(%arg11 : memref<!tpu.dma_semaphore, #tpu.memory_space<semaphore_mem>>)
    %dma_wait3A_16 = arith.constant 0 : i32
    %dma_wait3A_17 = arith.constant 0 : i32
    %dma_wait3A_18 = tpu.memref_slice %arg2[%dma_wait3A_16, %dma_wait3A_17] : memref<8192x256xf32, #tpu.memory_space<hbm>> -> memref<8192x256xf32, #tpu.memory_space<hbm>>
    tpu.wait_indirect_dma semaphore(%arg10 : memref<!tpu.dma_semaphore, #tpu.memory_space<semaphore_mem>>) src(%dma_wait3A_18 : memref<8192x256xf32, #tpu.memory_space<hbm>>) dst(%arg8 : memref<128x256xf32, #tpu.memory_space<vmem>>)
    %add3A_19 = arith.constant 128 : i32
    %add3A_20 = arith.addi %mul3A_2, %add3A_19 : i32
    %dma_start3A_21 = arith.constant 0 : i32
    %dma_start3A_22 = tpu.memref_slice %arg4[%add3A_20, %dma_start3A_21] : memref<8192x256xf32, #tpu.memory_space<hbm>> -> memref<128x256xf32, #tpu.memory_space<hbm>>
    %dma_start3A_23 = arith.constant 0 : i32
    %dma_start3A_24 = tpu.memref_slice %arg4[%add3A_20, %dma_start3A_23] : memref<8192x256xf32, #tpu.memory_space<hbm>> -> memref<128x256xf32, #tpu.memory_space<hbm>>
    tpu.enqueue_dma source(%arg8 : memref<128x256xf32, #tpu.memory_space<vmem>>) target(%dma_start3A_24 : memref<128x256xf32, #tpu.memory_space<hbm>>) target_semaphore(%arg12 : memref<!tpu.dma_semaphore, #tpu.memory_space<semaphore_mem>>)
    %dma_wait3A_25 = arith.constant 0 : i32
    %dma_wait3A_26 = tpu.memref_slice %arg4[%mul3A_2, %dma_wait3A_25] : memref<8192x256xf32, #tpu.memory_space<hbm>> -> memref<128x256xf32, #tpu.memory_space<hbm>>
    %dma_wait3A_27 = arith.constant 0 : i32
    %dma_wait3A_28 = tpu.memref_slice %arg4[%mul3A_2, %dma_wait3A_27] : memref<8192x256xf32, #tpu.memory_space<hbm>> -> memref<128x256xf32, #tpu.memory_space<hbm>>
    tpu.wait_dma2 semaphore(%arg11 : memref<!tpu.dma_semaphore, #tpu.memory_space<semaphore_mem>>) src(%arg7 : memref<128x256xf32, #tpu.memory_space<vmem>>) dst(%dma_wait3A_28 : memref<128x256xf32, #tpu.memory_space<hbm>>)
    %dma_wait3A_29 = arith.constant 0 : i32
    %dma_wait3A_30 = tpu.memref_slice %arg4[%add3A_20, %dma_wait3A_29] : memref<8192x256xf32, #tpu.memory_space<hbm>> -> memref<128x256xf32, #tpu.memory_space<hbm>>
    %dma_wait3A_31 = arith.constant 0 : i32
    %dma_wait3A_32 = tpu.memref_slice %arg4[%add3A_20, %dma_wait3A_31] : memref<8192x256xf32, #tpu.memory_space<hbm>> -> memref<128x256xf32, #tpu.memory_space<hbm>>
    tpu.wait_dma2 semaphore(%arg12 : memref<!tpu.dma_semaphore, #tpu.memory_space<semaphore_mem>>) src(%arg8 : memref<128x256xf32, #tpu.memory_space<vmem>>) dst(%dma_wait3A_32 : memref<128x256xf32, #tpu.memory_space<hbm>>)
    return
  }
}

module attributes {stable_mosaic.version = 14 : i64} {
  func.func @_dist_topk_body(%arg0: i32, %arg1: i32, %arg2: memref<1024x256xf32, #tpu.memory_space<vmem>>, %arg3: memref<2048x256xf32, #tpu.memory_space<vmem>>, %arg4: memref<1024x1xf32, #tpu.memory_space<vmem>>, %arg5: memref<1x2048xf32, #tpu.memory_space<vmem>>, %arg6: memref<1024x2048xf32, #tpu.memory_space<vmem>>, %arg7: memref<1x1024x8xf32, #tpu.memory_space<vmem>>, %arg8: memref<1x1024x8xi32, #tpu.memory_space<vmem>>) attributes {dimension_semantics = [#tpu.dimension_semantics<arbitrary>, #tpu.dimension_semantics<arbitrary>], iteration_bounds = array<i64: 4, 8>, scalar_prefetch = 0 : i64, scratch_operands = 0 : i64, tpu.core_type = #tpu.core_type<tc>, window_params = [{transform_indices = @transform_0, window_bounds = array<i64: 1024, 256>}, {transform_indices = @transform_1, window_bounds = array<i64: 2048, 256>}, {transform_indices = @transform_2, window_bounds = array<i64: 1024, 1>}, {transform_indices = @transform_3, window_bounds = array<i64: 1, 2048>}, {transform_indices = @transform_4, window_bounds = array<i64: 1024, 2048>}, {transform_indices = @transform_5, window_bounds = array<i64: 1, 1024, 8>}, {transform_indices = @transform_6, window_bounds = array<i64: 1, 1024, 8>}]} {
    %get3A = arith.constant 0 : index
    %get3A_0 = arith.constant 0 : index
    %get3A_1 = vector.load %arg2[%get3A, %get3A_0] : memref<1024x256xf32, #tpu.memory_space<vmem>>, vector<1024x256xf32>
    %get3A_2 = arith.constant 0 : index
    %get3A_3 = arith.constant 0 : index
    %get3A_4 = vector.load %arg3[%get3A_2, %get3A_3] : memref<2048x256xf32, #tpu.memory_space<vmem>>, vector<2048x256xf32>
    %dot_general3A = arith.constant dense<0.000000e+00> : vector<1024x2048xf32>
    %dot_general3A_5 = tpu.matmul %get3A_1, %get3A_4, %dot_general3A {dimension_numbers = #tpu.dot_dimension_numbers<[1], [1], [0], [0], [0, 0, 1, 0], [], []>, transpose_lhs_hint = false} : vector<1024x256xf32>, vector<2048x256xf32>, vector<1024x2048xf32> -> vector<1024x2048xf32>
    %get3A_6 = arith.constant 0 : index
    %get3A_7 = arith.constant 0 : index
    %get3A_8 = vector.load %arg4[%get3A_6, %get3A_7] : memref<1024x1xf32, #tpu.memory_space<vmem>>, vector<1024x1xf32>
    %mul3A = arith.constant 2.000000e+00 : f32
    %mul3A_9 = vector.broadcast %mul3A : f32 to vector<1024x2048xf32>
    %mul3A_10 = arith.mulf %mul3A_9, %dot_general3A_5 : vector<1024x2048xf32>
    %sub3A = vector.broadcast %get3A_8 : vector<1024x1xf32> to vector<1024x2048xf32>
    %sub3A_11 = arith.subf %sub3A, %mul3A_10 : vector<1024x2048xf32>
    %get3A_12 = arith.constant 0 : index
    %get3A_13 = arith.constant 0 : index
    %get3A_14 = vector.load %arg5[%get3A_12, %get3A_13] : memref<1x2048xf32, #tpu.memory_space<vmem>>, vector<1x2048xf32>
    %add3A = vector.broadcast %get3A_14 : vector<1x2048xf32> to vector<1024x2048xf32>
    %add3A_15 = arith.addf %sub3A_11, %add3A : vector<1024x2048xf32>
    %neg3A = arith.constant 0.000000e+00 : f32
    %neg3A_16 = vector.broadcast %neg3A : f32 to vector<1024x2048xf32>
    %neg3A_17 = arith.subf %neg3A_16, %add3A_15 : vector<1024x2048xf32>
    %swap3A = arith.constant 0 : index
    %swap3A_18 = arith.constant 0 : index
    %swap3A_19 = vector.load %arg6[%swap3A, %swap3A_18] : memref<1024x2048xf32, #tpu.memory_space<vmem>>, vector<1024x2048xf32>
    tpu.vector_store %arg6[%swap3A, %swap3A_18], %neg3A_17 {strides = array<i32>} : memref<1024x2048xf32, #tpu.memory_space<vmem>>, vector<1024x2048xf32>,
    %iota3A = tpu.iota {dimensions = array<i32: 1>} : vector<1x2048xi32>
    %convert_element_type3A = arith.sitofp %iota3A : vector<1x2048xi32> to vector<1x2048xf32>
    %reduce_max3A = arith.constant dense<0xFF800000> : vector<1024xf32>
    %reduce_max3A_20 = vector.multi_reduction <maximumf>, %neg3A_17, %reduce_max3A [1] : vector<1024x2048xf32> to vector<1024xf32>
    %broadcast_in_dim3A = vector.shape_cast %reduce_max3A_20 : vector<1024xf32> to vector<1024x1xf32>
    %eq3A = vector.broadcast %broadcast_in_dim3A : vector<1024x1xf32> to vector<1024x2048xf32>
    %eq3A_21 = arith.cmpf oeq, %neg3A_17, %eq3A : vector<1024x2048xf32>
    %jit3A = arith.constant 0x7F800000 : f32
    %broadcast_in_dim3A_22 = vector.shape_cast %convert_element_type3A : vector<1x2048xf32> to vector<1x2048xf32>
    %broadcast_in_dim3A_23 = vector.broadcast %broadcast_in_dim3A_22 : vector<1x2048xf32> to vector<1024x2048xf32>
    %broadcast_in_dim3A_24 = vector.broadcast %jit3A : f32 to vector<1024x2048xf32>
    %select_n3A = arith.select %eq3A_21, %broadcast_in_dim3A_23, %broadcast_in_dim3A_24 : vector<1024x2048xi1>, vector<1024x2048xf32>
    %reduce_min3A = arith.constant dense<0x7F800000> : vector<1024xf32>
    %reduce_min3A_25 = vector.multi_reduction <minimumf>, %select_n3A, %reduce_min3A [1] : vector<1024x2048xf32> to vector<1024xf32>
    %broadcast_in_dim3A_26 = vector.shape_cast %reduce_min3A_25 : vector<1024xf32> to vector<1024x1xf32>
    %eq3A_27 = vector.broadcast %convert_element_type3A : vector<1x2048xf32> to vector<1024x2048xf32>
    %eq3A_28 = vector.broadcast %broadcast_in_dim3A_26 : vector<1024x1xf32> to vector<1024x2048xf32>
    %eq3A_29 = arith.cmpf oeq, %eq3A_27, %eq3A_28 : vector<1024x2048xf32>
    %jit3A_30 = arith.constant 0xFF800000 : f32
    %broadcast_in_dim3A_31 = vector.broadcast %jit3A_30 : f32 to vector<1024x2048xf32>
    %select_n3A_32 = arith.select %eq3A_29, %broadcast_in_dim3A_31, %neg3A_17 : vector<1024x2048xi1>, vector<1024x2048xf32>
    %reduce_max3A_33 = arith.constant dense<0xFF800000> : vector<1024xf32>
    %reduce_max3A_34 = vector.multi_reduction <maximumf>, %select_n3A_32, %reduce_max3A_33 [1] : vector<1024x2048xf32> to vector<1024xf32>
    %broadcast_in_dim3A_35 = vector.shape_cast %reduce_max3A_34 : vector<1024xf32> to vector<1024x1xf32>
    %eq3A_36 = vector.broadcast %broadcast_in_dim3A_35 : vector<1024x1xf32> to vector<1024x2048xf32>
    %eq3A_37 = arith.cmpf oeq, %select_n3A_32, %eq3A_36 : vector<1024x2048xf32>
    %jit3A_38 = arith.constant 0x7F800000 : f32
    %broadcast_in_dim3A_39 = vector.shape_cast %convert_element_type3A : vector<1x2048xf32> to vector<1x2048xf32>
    %broadcast_in_dim3A_40 = vector.broadcast %broadcast_in_dim3A_39 : vector<1x2048xf32> to vector<1024x2048xf32>
    %broadcast_in_dim3A_41 = vector.broadcast %jit3A_38 : f32 to vector<1024x2048xf32>
    %select_n3A_42 = arith.select %eq3A_37, %broadcast_in_dim3A_40, %broadcast_in_dim3A_41 : vector<1024x2048xi1>, vector<1024x2048xf32>
    %reduce_min3A_43 = arith.constant dense<0x7F800000> : vector<1024xf32>
    %reduce_min3A_44 = vector.multi_reduction <minimumf>, %select_n3A_42, %reduce_min3A_43 [1] : vector<1024x2048xf32> to vector<1024xf32>
    %broadcast_in_dim3A_45 = vector.shape_cast %reduce_min3A_44 : vector<1024xf32> to vector<1024x1xf32>
    %eq3A_46 = vector.broadcast %convert_element_type3A : vector<1x2048xf32> to vector<1024x2048xf32>
    %eq3A_47 = vector.broadcast %broadcast_in_dim3A_45 : vector<1024x1xf32> to vector<1024x2048xf32>
    %eq3A_48 = arith.cmpf oeq, %eq3A_46, %eq3A_47 : vector<1024x2048xf32>
    %jit3A_49 = arith.constant 0xFF800000 : f32
    %broadcast_in_dim3A_50 = vector.broadcast %jit3A_49 : f32 to vector<1024x2048xf32>
    %select_n3A_51 = arith.select %eq3A_48, %broadcast_in_dim3A_50, %select_n3A_32 : vector<1024x2048xi1>, vector<1024x2048xf32>
    %reduce_max3A_52 = arith.constant dense<0xFF800000> : vector<1024xf32>
    %reduce_max3A_53 = vector.multi_reduction <maximumf>, %select_n3A_51, %reduce_max3A_52 [1] : vector<1024x2048xf32> to vector<1024xf32>
    %broadcast_in_dim3A_54 = vector.shape_cast %reduce_max3A_53 : vector<1024xf32> to vector<1024x1xf32>
    %eq3A_55 = vector.broadcast %broadcast_in_dim3A_54 : vector<1024x1xf32> to vector<1024x2048xf32>
    %eq3A_56 = arith.cmpf oeq, %select_n3A_51, %eq3A_55 : vector<1024x2048xf32>
    %jit3A_57 = arith.constant 0x7F800000 : f32
    %broadcast_in_dim3A_58 = vector.shape_cast %convert_element_type3A : vector<1x2048xf32> to vector<1x2048xf32>
    %broadcast_in_dim3A_59 = vector.broadcast %broadcast_in_dim3A_58 : vector<1x2048xf32> to vector<1024x2048xf32>
    %broadcast_in_dim3A_60 = vector.broadcast %jit3A_57 : f32 to vector<1024x2048xf32>
    %select_n3A_61 = arith.select %eq3A_56, %broadcast_in_dim3A_59, %broadcast_in_dim3A_60 : vector<1024x2048xi1>, vector<1024x2048xf32>
    %reduce_min3A_62 = arith.constant dense<0x7F800000> : vector<1024xf32>
    %reduce_min3A_63 = vector.multi_reduction <minimumf>, %select_n3A_61, %reduce_min3A_62 [1] : vector<1024x2048xf32> to vector<1024xf32>
    %broadcast_in_dim3A_64 = vector.shape_cast %reduce_min3A_63 : vector<1024xf32> to vector<1024x1xf32>
    %convert_element_type3A_65 = arith.fptosi %broadcast_in_dim3A_26 : vector<1024x1xf32> to vector<1024x1xi32>
    %mul3A_66 = arith.constant 2048 : i32
    %mul3A_67 = arith.muli %arg0, %mul3A_66 : i32
    %add3A_68 = vector.broadcast %mul3A_67 : i32 to vector<1024x1xi32>
    %add3A_69 = arith.addi %convert_element_type3A_65, %add3A_68 : vector<1024x1xi32>
    %convert_element_type3A_70 = arith.fptosi %broadcast_in_dim3A_45 : vector<1024x1xf32> to vector<1024x1xi32>
    %mul3A_71 = arith.constant 2048 : i32
    %mul3A_72 = arith.muli %arg0, %mul3A_71 : i32
    %add3A_73 = vector.broadcast %mul3A_72 : i32 to vector<1024x1xi32>
    %add3A_74 = arith.addi %convert_element_type3A_70, %add3A_73 : vector<1024x1xi32>
    %convert_element_type3A_75 = arith.fptosi %broadcast_in_dim3A_64 : vector<1024x1xf32> to vector<1024x1xi32>
    %mul3A_76 = arith.constant 2048 : i32
    %mul3A_77 = arith.muli %arg0, %mul3A_76 : i32
    %add3A_78 = vector.broadcast %mul3A_77 : i32 to vector<1024x1xi32>
    %add3A_79 = arith.addi %convert_element_type3A_75, %add3A_78 : vector<1024x1xi32>
    %broadcast_in_dim3A_80 = arith.constant 0xFF800000 : f32
    %broadcast_in_dim3A_81 = vector.broadcast %broadcast_in_dim3A_80 : f32 to vector<1024x5xf32>
    %broadcast_in_dim3A_82 = arith.constant 2147483647 : i32
    %broadcast_in_dim3A_83 = vector.broadcast %broadcast_in_dim3A_82 : i32 to vector<1024x5xi32>
    %concatenate3A = tpu.concatenate %broadcast_in_dim3A, %broadcast_in_dim3A_35, %broadcast_in_dim3A_54, %broadcast_in_dim3A_81 in 1 : vector<1024x1xf32>, vector<1024x1xf32>, vector<1024x1xf32>, vector<1024x5xf32> -> vector<1024x8xf32>
    %broadcast_in_dim3A_84 = vector.shape_cast %concatenate3A : vector<1024x8xf32> to vector<1x1024x8xf32>
    %swap3A_85 = arith.constant 0 : index
    %swap3A_86 = arith.constant 0 : index
    %swap3A_87 = arith.constant 0 : index
    %swap3A_88 = vector.load %arg7[%swap3A_85, %swap3A_86, %swap3A_87] : memref<1x1024x8xf32, #tpu.memory_space<vmem>>, vector<1x1024x8xf32>
    tpu.vector_store %arg7[%swap3A_85, %swap3A_86, %swap3A_87], %broadcast_in_dim3A_84 {strides = array<i32>} : memref<1x1024x8xf32, #tpu.memory_space<vmem>>, vector<1x1024x8xf32>,
    %concatenate3A_89 = tpu.concatenate %add3A_69, %add3A_74, %add3A_79, %broadcast_in_dim3A_83 in 1 : vector<1024x1xi32>, vector<1024x1xi32>, vector<1024x1xi32>, vector<1024x5xi32> -> vector<1024x8xi32>
    %broadcast_in_dim3A_90 = vector.shape_cast %concatenate3A_89 : vector<1024x8xi32> to vector<1x1024x8xi32>
    %swap3A_91 = arith.constant 0 : index
    %swap3A_92 = arith.constant 0 : index
    %swap3A_93 = arith.constant 0 : index
    %swap3A_94 = vector.load %arg8[%swap3A_91, %swap3A_92, %swap3A_93] : memref<1x1024x8xi32, #tpu.memory_space<vmem>>, vector<1x1024x8xi32>
    tpu.vector_store %arg8[%swap3A_91, %swap3A_92, %swap3A_93], %broadcast_in_dim3A_90 {strides = array<i32>} : memref<1x1024x8xi32, #tpu.memory_space<vmem>>, vector<1x1024x8xi32>,
    return
  }
  func.func @transform_0(%arg0: i32, %arg1: i32) -> (i32, i32) {
    %c0_i32 = arith.constant 0 : i32
    %c0_i32_0 = arith.constant 0 : i32
    return %arg1, %c0_i32 : i32, i32
  }
  func.func @transform_1(%arg0: i32, %arg1: i32) -> (i32, i32) {
    %c0_i32 = arith.constant 0 : i32
    %c0_i32_0 = arith.constant 0 : i32
    return %arg0, %c0_i32 : i32, i32
  }
  func.func @transform_2(%arg0: i32, %arg1: i32) -> (i32, i32) {
    %c0_i32 = arith.constant 0 : i32
    %c0_i32_0 = arith.constant 0 : i32
    return %arg1, %c0_i32 : i32, i32
  }
  func.func @transform_3(%arg0: i32, %arg1: i32) -> (i32, i32) {
    %c0_i32 = arith.constant 0 : i32
    %c0_i32_0 = arith.constant 0 : i32
    return %c0_i32, %arg0 : i32, i32
  }
  func.func @transform_4(%arg0: i32, %arg1: i32) -> (i32, i32) {
    %c0_i32 = arith.constant 0 : i32
    return %arg1, %arg0 : i32, i32
  }
  func.func @transform_5(%arg0: i32, %arg1: i32) -> (i32, i32, i32) {
    %c0_i32 = arith.constant 0 : i32
    %c0_i32_0 = arith.constant 0 : i32
    return %arg0, %arg1, %c0_i32 : i32, i32, i32
  }
  func.func @transform_6(%arg0: i32, %arg1: i32) -> (i32, i32, i32) {
    %c0_i32 = arith.constant 0 : i32
    %c0_i32_0 = arith.constant 0 : i32
    return %arg0, %arg1, %c0_i32 : i32, i32, i32
  }
}

module attributes {stable_mosaic.version = 14 : i64} {
  func.func @_merge_body(%arg0: i32, %arg1: memref<1xi32, #tpu.memory_space<smem>>, %arg2: memref<4x2048x8xf32, #tpu.memory_space<vmem>>, %arg3: memref<4x2048x8xi32, #tpu.memory_space<vmem>>, %arg4: memref<2048x8xi32, #tpu.memory_space<vmem>>) attributes {dimension_semantics = [#tpu.dimension_semantics<arbitrary>], iteration_bounds = array<i64: 4>, scalar_prefetch = 0 : i64, scratch_operands = 0 : i64, tpu.core_type = #tpu.core_type<tc>, window_params = [{transform_indices = @transform_0, window_bounds = array<i64: 1>}, {transform_indices = @transform_1, window_bounds = array<i64: 4, 2048, 8>}, {transform_indices = @transform_2, window_bounds = array<i64: 4, 2048, 8>}, {transform_indices = @transform_3, window_bounds = array<i64: 2048, 8>}]} {
    %get3A = arith.constant 0 : index
    %get3A_0 = arith.constant 0 : index
    %get3A_1 = arith.constant 0 : index
    %get3A_2 = vector.load %arg2[%get3A, %get3A_0, %get3A_1] : memref<4x2048x8xf32, #tpu.memory_space<vmem>>, vector<1x2048x8xf32>
    %get3A_3 = vector.shape_cast %get3A_2 : vector<1x2048x8xf32> to vector<2048x8xf32>
    %get3A_4 = arith.constant 1 : index
    %get3A_5 = arith.constant 0 : index
    %get3A_6 = arith.constant 0 : index
    %get3A_7 = vector.load %arg2[%get3A_4, %get3A_5, %get3A_6] : memref<4x2048x8xf32, #tpu.memory_space<vmem>>, vector<1x2048x8xf32>
    %get3A_8 = vector.shape_cast %get3A_7 : vector<1x2048x8xf32> to vector<2048x8xf32>
    %get3A_9 = arith.constant 2 : index
    %get3A_10 = arith.constant 0 : index
    %get3A_11 = arith.constant 0 : index
    %get3A_12 = vector.load %arg2[%get3A_9, %get3A_10, %get3A_11] : memref<4x2048x8xf32, #tpu.memory_space<vmem>>, vector<1x2048x8xf32>
    %get3A_13 = vector.shape_cast %get3A_12 : vector<1x2048x8xf32> to vector<2048x8xf32>
    %get3A_14 = arith.constant 3 : index
    %get3A_15 = arith.constant 0 : index
    %get3A_16 = arith.constant 0 : index
    %get3A_17 = vector.load %arg2[%get3A_14, %get3A_15, %get3A_16] : memref<4x2048x8xf32, #tpu.memory_space<vmem>>, vector<1x2048x8xf32>
    %get3A_18 = vector.shape_cast %get3A_17 : vector<1x2048x8xf32> to vector<2048x8xf32>
    %concatenate3A = tpu.concatenate %get3A_3, %get3A_8, %get3A_13, %get3A_18 in 1 : vector<2048x8xf32>, vector<2048x8xf32>, vector<2048x8xf32>, vector<2048x8xf32> -> vector<2048x32xf32>
    %get3A_19 = arith.constant 0 : index
    %get3A_20 = arith.constant 0 : index
    %get3A_21 = arith.constant 0 : index
    %get3A_22 = vector.load %arg3[%get3A_19, %get3A_20, %get3A_21] : memref<4x2048x8xi32, #tpu.memory_space<vmem>>, vector<1x2048x8xi32>
    %get3A_23 = vector.shape_cast %get3A_22 : vector<1x2048x8xi32> to vector<2048x8xi32>
    %get3A_24 = arith.constant 1 : index
    %get3A_25 = arith.constant 0 : index
    %get3A_26 = arith.constant 0 : index
    %get3A_27 = vector.load %arg3[%get3A_24, %get3A_25, %get3A_26] : memref<4x2048x8xi32, #tpu.memory_space<vmem>>, vector<1x2048x8xi32>
    %get3A_28 = vector.shape_cast %get3A_27 : vector<1x2048x8xi32> to vector<2048x8xi32>
    %get3A_29 = arith.constant 2 : index
    %get3A_30 = arith.constant 0 : index
    %get3A_31 = arith.constant 0 : index
    %get3A_32 = vector.load %arg3[%get3A_29, %get3A_30, %get3A_31] : memref<4x2048x8xi32, #tpu.memory_space<vmem>>, vector<1x2048x8xi32>
    %get3A_33 = vector.shape_cast %get3A_32 : vector<1x2048x8xi32> to vector<2048x8xi32>
    %get3A_34 = arith.constant 3 : index
    %get3A_35 = arith.constant 0 : index
    %get3A_36 = arith.constant 0 : index
    %get3A_37 = vector.load %arg3[%get3A_34, %get3A_35, %get3A_36] : memref<4x2048x8xi32, #tpu.memory_space<vmem>>, vector<1x2048x8xi32>
    %get3A_38 = vector.shape_cast %get3A_37 : vector<1x2048x8xi32> to vector<2048x8xi32>
    %concatenate3A_39 = tpu.concatenate %get3A_23, %get3A_28, %get3A_33, %get3A_38 in 1 : vector<2048x8xi32>, vector<2048x8xi32>, vector<2048x8xi32>, vector<2048x8xi32> -> vector<2048x32xi32>
    %reduce_max3A = arith.constant dense<0xFF800000> : vector<2048xf32>
    %reduce_max3A_40 = vector.multi_reduction <maximumf>, %concatenate3A, %reduce_max3A [1] : vector<2048x32xf32> to vector<2048xf32>
    %broadcast_in_dim3A = vector.shape_cast %reduce_max3A_40 : vector<2048xf32> to vector<2048x1xf32>
    %eq3A = vector.broadcast %broadcast_in_dim3A : vector<2048x1xf32> to vector<2048x32xf32>
    %eq3A_41 = arith.cmpf oeq, %concatenate3A, %eq3A : vector<2048x32xf32>
    %jit3A = arith.constant 2147483647 : i32
    %broadcast_in_dim3A_42 = vector.broadcast %jit3A : i32 to vector<2048x32xi32>
    %select_n3A = arith.select %eq3A_41, %concatenate3A_39, %broadcast_in_dim3A_42 : vector<2048x32xi1>, vector<2048x32xi32>
    %reduce_min3A = arith.constant dense<2147483647> : vector<2048xi32>
    %reduce_min3A_43 = vector.multi_reduction <minsi>, %select_n3A, %reduce_min3A [1] : vector<2048x32xi32> to vector<2048xi32>
    %broadcast_in_dim3A_44 = vector.shape_cast %reduce_min3A_43 : vector<2048xi32> to vector<2048x1xi32>
    %eq3A_45 = vector.broadcast %broadcast_in_dim3A_44 : vector<2048x1xi32> to vector<2048x32xi32>
    %eq3A_46 = arith.cmpi eq, %concatenate3A_39, %eq3A_45 : vector<2048x32xi32>
    %jit3A_47 = arith.constant 0xFF800000 : f32
    %broadcast_in_dim3A_48 = vector.broadcast %jit3A_47 : f32 to vector<2048x32xf32>
    %select_n3A_49 = arith.select %eq3A_46, %broadcast_in_dim3A_48, %concatenate3A : vector<2048x32xi1>, vector<2048x32xf32>
    %reduce_max3A_50 = arith.constant dense<0xFF800000> : vector<2048xf32>
    %reduce_max3A_51 = vector.multi_reduction <maximumf>, %select_n3A_49, %reduce_max3A_50 [1] : vector<2048x32xf32> to vector<2048xf32>
    %broadcast_in_dim3A_52 = vector.shape_cast %reduce_max3A_51 : vector<2048xf32> to vector<2048x1xf32>
    %eq3A_53 = vector.broadcast %broadcast_in_dim3A_52 : vector<2048x1xf32> to vector<2048x32xf32>
    %eq3A_54 = arith.cmpf oeq, %select_n3A_49, %eq3A_53 : vector<2048x32xf32>
    %jit3A_55 = arith.constant 2147483647 : i32
    %broadcast_in_dim3A_56 = vector.broadcast %jit3A_55 : i32 to vector<2048x32xi32>
    %select_n3A_57 = arith.select %eq3A_54, %concatenate3A_39, %broadcast_in_dim3A_56 : vector<2048x32xi1>, vector<2048x32xi32>
    %reduce_min3A_58 = arith.constant dense<2147483647> : vector<2048xi32>
    %reduce_min3A_59 = vector.multi_reduction <minsi>, %select_n3A_57, %reduce_min3A_58 [1] : vector<2048x32xi32> to vector<2048xi32>
    %broadcast_in_dim3A_60 = vector.shape_cast %reduce_min3A_59 : vector<2048xi32> to vector<2048x1xi32>
    %eq3A_61 = vector.broadcast %broadcast_in_dim3A_60 : vector<2048x1xi32> to vector<2048x32xi32>
    %eq3A_62 = arith.cmpi eq, %concatenate3A_39, %eq3A_61 : vector<2048x32xi32>
    %jit3A_63 = arith.constant 0xFF800000 : f32
    %broadcast_in_dim3A_64 = vector.broadcast %jit3A_63 : f32 to vector<2048x32xf32>
    %select_n3A_65 = arith.select %eq3A_62, %broadcast_in_dim3A_64, %select_n3A_49 : vector<2048x32xi1>, vector<2048x32xf32>
    %reduce_max3A_66 = arith.constant dense<0xFF800000> : vector<2048xf32>
    %reduce_max3A_67 = vector.multi_reduction <maximumf>, %select_n3A_65, %reduce_max3A_66 [1] : vector<2048x32xf32> to vector<2048xf32>
    %broadcast_in_dim3A_68 = vector.shape_cast %reduce_max3A_67 : vector<2048xf32> to vector<2048x1xf32>
    %eq3A_69 = vector.broadcast %broadcast_in_dim3A_68 : vector<2048x1xf32> to vector<2048x32xf32>
    %eq3A_70 = arith.cmpf oeq, %select_n3A_65, %eq3A_69 : vector<2048x32xf32>
    %jit3A_71 = arith.constant 2147483647 : i32
    %broadcast_in_dim3A_72 = vector.broadcast %jit3A_71 : i32 to vector<2048x32xi32>
    %select_n3A_73 = arith.select %eq3A_70, %concatenate3A_39, %broadcast_in_dim3A_72 : vector<2048x32xi1>, vector<2048x32xi32>
    %reduce_min3A_74 = arith.constant dense<2147483647> : vector<2048xi32>
    %reduce_min3A_75 = vector.multi_reduction <minsi>, %select_n3A_73, %reduce_min3A_74 [1] : vector<2048x32xi32> to vector<2048xi32>
    %broadcast_in_dim3A_76 = vector.shape_cast %reduce_min3A_75 : vector<2048xi32> to vector<2048x1xi32>
    %get3A_77 = arith.constant 0 : index
    %get3A_78 = memref.load %arg1[%get3A_77] : memref<1xi32, #tpu.memory_space<smem>>
    %le3A = arith.constant 0 : i32
    %le3A_79 = arith.cmpi sle, %get3A_78, %le3A : i32
    %eq3A_80 = arith.constant 1 : i32
    %eq3A_81 = arith.cmpi eq, %get3A_78, %eq3A_80 : i32
    %select_n3A_82 = arith.select %eq3A_81, %broadcast_in_dim3A_60, %broadcast_in_dim3A_76 : vector<2048x1xi32>
    %select_n3A_83 = arith.select %le3A_79, %broadcast_in_dim3A_44, %select_n3A_82 : vector<2048x1xi32>
    %broadcast_in_dim3A_84 = arith.constant 0 : i32
    %broadcast_in_dim3A_85 = vector.broadcast %broadcast_in_dim3A_84 : i32 to vector<2048x7xi32>
    %concatenate3A_86 = tpu.concatenate %select_n3A_83, %broadcast_in_dim3A_85 in 1 : vector<2048x1xi32>, vector<2048x7xi32> -> vector<2048x8xi32>
    %swap3A = arith.constant 0 : index
    %swap3A_87 = arith.constant 0 : index
    %swap3A_88 = vector.load %arg4[%swap3A, %swap3A_87] : memref<2048x8xi32, #tpu.memory_space<vmem>>, vector<2048x8xi32>
    tpu.vector_store %arg4[%swap3A, %swap3A_87], %concatenate3A_86 {strides = array<i32>} : memref<2048x8xi32, #tpu.memory_space<vmem>>, vector<2048x8xi32>,
    return
  }
  func.func @transform_0(%arg0: i32) -> i32 {
    %c0_i32 = arith.constant 0 : i32
    %c0_i32_0 = arith.constant 0 : i32
    return %c0_i32 : i32
  }
  func.func @transform_1(%arg0: i32) -> (i32, i32, i32) {
    %c0_i32 = arith.constant 0 : i32
    %c0_i32_0 = arith.constant 0 : i32
    %c0_i32_1 = arith.constant 0 : i32
    return %c0_i32, %arg0, %c0_i32_0 : i32, i32, i32
  }
  func.func @transform_2(%arg0: i32) -> (i32, i32, i32) {
    %c0_i32 = arith.constant 0 : i32
    %c0_i32_0 = arith.constant 0 : i32
    %c0_i32_1 = arith.constant 0 : i32
    return %c0_i32, %arg0, %c0_i32_0 : i32, i32, i32
  }
  func.func @transform_3(%arg0: i32) -> (i32, i32) {
    %c0_i32 = arith.constant 0 : i32
    %c0_i32_0 = arith.constant 0 : i32
    return %arg0, %c0_i32 : i32, i32
  }
}

</mosaic_0001>

<sc_bundles>
// kernel: kernel.5.cloned.1.call-start
scs
__scs_entry_jumppad:
0x0: {  	(pc) =	sbr.rel $0x88, $3  }
0x1: {  	(tag) =	ssettag $0x0;
	lr =	simm.s32 $0x1  }
0x2: {  	[smem:$0x3F9E] =	sst lr;
	_ =	strace $0xD0000000  }
0x3: {  	_ = 	snop  }
0x4: {  	_ = 	snop  }
0x5: {  	_ = 	snop  }
0x6: {  	_ = 	snop  }
0x7: {  	_ = 	snop  }
__scs_overlays_trampoline_lowered:
0x8: {  	[smem:$0x3FAD] =	sst s0  }
0x9: {  	[smem:$0x3FAE] =	sst s1  }
0xa: {  	[smem:$0x3FAF] =	sst s2  }
0xb: {  	[smem:$0x3FB0] =	sst s3  }
0xc: {  	[smem:$0x3FB1] =	sst s4  }
0xd: {  	[smem:$0x3FB2] =	sst s5  }
0xe: {  	[smem:$0x3FB3] =	sst s6  }
0xf: {  	[smem:$0x3FB4] =	sst s7  }
0x10: {  	[smem:$0x3FB5] =	sst s8  }
0x11: {  	[smem:$0x3FB6] =	sst s9;
	s0 =	simm.s32 @!p0 $0x0  }
0x12: {  	s1 =	sld [smem:$0x3F9C];
	s0 =	simm.s32 @p0 $0x1  }
0x13: {  	[smem:$0x3FB7] =	sst s0;
	s0 =	simm.s32 @!p1 $0x0  }
0x14: {  	s2 =	sld [smem:$0x3F9B];
	s0 =	simm.s32 @p1 $0x1  }
0x15: {  	[smem:$0x3FB8] =	sst s0;
	s0 =	simm.s32 @!p2 $0x0  }
0x16: {  	s3 =	sld [smem:$0x3FDB];
	s0 =	simm.s32 @p2 $0x1  }
0x17: {  	s4 =	simm.s32 $0x1BF5;
	[smem:$0x3FBA] =	sst s0  }
0x18: {  	s0 =	sld [smem:$0x3F9D];
	_ =	swait.ge [sflag:s4], $0x0  }
0x19: {  	s7 =	sld [smem:$0x3F9E]  }
0x1a: {  	s8 =	sadd.s32 $0xFFFFE003, lr  }
0x1b: {  	s9 =	sadd.s32 $0xFFFFFEF7, lr;
	s5 =	simm.s32 $0xFFFFFFFF;
	p2 =	slt.u32 s8, $0xFFFFF086  }
0x1c: {  	p1 =	slt.u32 s9, $0xF7A;
	s5 =	simm.s32 @!p2 $0x0  }
0x1d: {  	s5 =	simm.s32 @p1 $0x1;
	p0 =	seq.s32 s7, s2  }
0x1e: {  	s7 =	smul.u32 @!p0 $0xF7A, s2;
	p2 =	seq.s32 @!p0 s5, $0x0  }
0x1f: {  	s9 =	smul.u32 $0xF7A, s1;
	s8 =	simm.s32 @!p0 $0x1BF5;
	p2 =	por !p2, p0  }
0x20: {  	[sflag:s8] =	ssyncset.s32 @!p0 $0xFFFFF086;
	s6 =	sadd.s32 @!p0 s3, s7;
	s7 =	simm.s32 @!p0 $0x108  }
0x21: {  	s3 =	sadd.s32 s3, s9;
	s6 =	sadd.s32 @!p0 $0x88, s6;
	s7 =	simm.s32 @p2 $0x1082  }
0x22: {  	[simem:s7], [sflag:s8] =	dma.local @!p0 [hbm:s6], $0xF7A  }
0x23: {  	s9 =	sor.u32 $0xD0000000, s2;
	s6 =	simm.s32 $0x108;
	_ =	swait.ge @!p0 [sflag:s8], $0x0  }
0x24: {  	s3 =	sadd.s32 $0x88, s3;
	s6 =	simm.s32 @!p1 $0x1082;
	[sflag:s4] =	ssyncset.s32 $0xFFFFF086  }
0x25: {  	[simem:s6], [sflag:s4] =	dma.local [hbm:s3], $0xF7A  }
0x26: {  	[smem:$0x3F9E] =	sst s1;
	(tag) =	ssettag s2;
	_ =	strace s9  }
0x27: {  	s1 =	sld [smem:$0x3FAE]  }
0x28: {  	s2 =	sld [smem:$0x3FAF]  }
0x29: {  	s4 =	sld [smem:$0x3FB1]  }
0x2a: {  	p0 =	seq.s32 s5, $0x0;
	s5 =	sld [smem:$0x3FB2]  }
0x2b: {  	s6 =	sld [smem:$0x3FB3]  }
0x2c: {  	s7 =	sld [smem:$0x3FB4]  }
0x2d: {  	s3 =	simm.s32 $0x108;
	s8 =	sld [smem:$0x3FB5]  }
0x2e: {  	s3 =	simm.s32 @!p0 $0x1082;
	s9 =	sld [smem:$0x3FB6]  }
0x2f: {  	lr =	sadd.s32 s0, s3;
	s0 =	sld [smem:$0x3FAD]  }
0x30: {  	s3 =	sld [smem:$0x3FB0]  }
0x31: {  	[smem:$0x3FB9] =	sst s10  }
0x32: {  	s10 =	sld [smem:$0x3FB7];
	_ =	sdelay $0x3  }
0x33: {  	p0 =	seq.s32 s10, $0x1;
	s10 =	sld [smem:$0x3FB9];
	_ =	sdelay $0x3  }
0x34: {  	[smem:$0x3FB9] =	sst s10  }
0x35: {  	s10 =	sld [smem:$0x3FB8];
	_ =	sdelay $0x3  }
0x36: {  	p1 =	seq.s32 s10, $0x1;
	s10 =	sld [smem:$0x3FB9];
	_ =	sdelay $0x3  }
0x37: {  	[smem:$0x3FB9] =	sst s10  }
0x38: {  	s10 =	sld [smem:$0x3FBA]  }
0x39: {  	_ = 	snop;
	(pc) =	sbr.ind lr, $3  }
0x3a: {  	_ = 	snop  }
0x3b: {  	_ = 	snop  }
0x3c: {  	p2 =	seq.s32 s10, $0x1;
	s10 =	sld [smem:$0x3FB9]  }
0x3d: {  	_ =	shalt  }
0x3e: {  	_ =	shalt  }
0x3f: {  	_ =	shalt  }
0x40: {  	_ =	shalt  }
0x41: {  	_ =	shalt  }
0x42: {  	_ =	shalt  }
0x43: {  	_ =	shalt  }
0x44: {  	_ =	shalt  }
0x45: {  	_ =	shalt  }
0x46: {  	_ =	shalt  }
0x47: {  	_ =	shalt  }
0x48: {  	_ =	shalt  }
0x49: {  	_ =	shalt  }
0x4a: {  	_ =	shalt  }
0x4b: {  	_ =	shalt  }
0x4c: {  	_ =	shalt  }
0x4d: {  	_ =	shalt  }
0x4e: {  	_ =	shalt  }
0x4f: {  	_ =	shalt  }
0x50: {  	_ =	shalt  }
0x51: {  	_ =	shalt  }
0x52: {  	_ =	shalt  }
0x53: {  	_ =	shalt  }
0x54: {  	_ =	shalt  }
0x55: {  	_ =	shalt  }
0x56: {  	_ =	shalt  }
0x57: {  	_ =	shalt  }
0x58: {  	_ =	shalt  }
0x59: {  	_ =	shalt  }
0x5a: {  	_ =	shalt  }
0x5b: {  	_ =	shalt  }
0x5c: {  	_ =	shalt  }
0x5d: {  	_ =	shalt  }
0x5e: {  	_ =	shalt  }
0x5f: {  	_ =	shalt  }
0x60: {  	_ =	shalt  }
0x61: {  	_ =	shalt  }
0x62: {  	_ =	shalt  }
0x63: {  	_ =	shalt  }
0x64: {  	_ =	shalt  }
0x65: {  	_ =	shalt  }
0x66: {  	_ =	shalt  }
0x67: {  	_ =	shalt  }
0x68: {  	_ =	shalt  }
0x69: {  	_ =	shalt  }
0x6a: {  	_ =	shalt  }
0x6b: {  	_ =	shalt  }
0x6c: {  	_ =	shalt  }
0x6d: {  	_ =	shalt  }
0x6e: {  	_ =	shalt  }
0x6f: {  	_ =	shalt  }
0x70: {  	_ =	shalt  }
0x71: {  	_ =	shalt  }
0x72: {  	_ =	shalt  }
0x73: {  	_ =	shalt  }
0x74: {  	_ =	shalt  }
0x75: {  	_ =	shalt  }
0x76: {  	_ =	shalt  }
0x77: {  	_ =	shalt  }
0x78: {  	_ =	shalt  }
0x79: {  	_ =	shalt  }
0x7a: {  	_ =	shalt  }
0x7b: {  	_ =	shalt  }
0x7c: {  	_ =	shalt  }
0x7d: {  	_ =	shalt  }
0x7e: {  	_ =	shalt  }
0x7f: {  	_ =	shalt  }
0x80: {  	_ =	shalt  }
0x81: {  	_ =	shalt  }
0x82: {  	_ =	shalt  }
0x83: {  	_ =	shalt  }
0x84: {  	_ =	shalt  }
0x85: {  	_ =	shalt  }
0x86: {  	_ =	shalt  }
0x87: {  	_ =	shalt  }
.Lfunc_end0:
.L_simem_size_0:
called_computation_lowered:
.L_overlay_start_0:
0x88: {  	s2 =	sld [smem:$0x3FD9]  }
0x89: {  	s3 =	sld [smem:$0x3FFE];
	_ =	sdelay $0x1  }
0x8a: {  	s1 =	srdreg.scid  }
0x8b: {  	s0 =	sand.u32 $0x1, s1  }
0x8c: {  	s14 =	sshll.u32 s0, $0xA;
	s2 =	sadd.s32 s3, s2  }
0x8d: {  	s2 =	sadd.s32 s2, s14  }
0x8e: {  	[smem:$0x3FC5] =	sst s2  }
0x8f: {  	_ = 	snop  }
0x90: {  	s2 =	sld [smem:$0x3FD0];
	_ =	sdelay $0x2  }
0x91: {  	s4 =	simm.s32 $0xA;
	s5 =	simm.s32 $0x10;
	s15 =	sld [smem:$0x3FC7]  }
0x92: {  	[smem:s5], [sflag:s4] =	dma.local [hbm:s2], $0x1  }
0x93: {  	_ =	swait.eq [sflag:s4], $0x1  }
0x94: {  	[sflag:s4] =	ssyncset.done $0x0  }
0x95: {  	[sflag:s4] =	ssyncadd.s32 $0xFFFFFFFF  }
0x96: {  	s16 =	sld [smem:$0x10];
	(tm) =	ssettm $0x1  }
0x97: {  	s17 =	sld [smem:$0x3FFB];
	_ =	sdelay $0x3  }
0x98: {  	_ =	strace s17  }
0x99: {  	s4 =	sld [smem:$0x3FFC];
	_ =	sdelay $0x3  }
0x9a: {  	_ =	strace s4  }
0x9b: {  	s4 =	sld [smem:$0x3FFD];
	_ =	sdelay $0x3  }
0x9c: {  	_ =	strace s4  }
0x9d: {  	_ =	strace $0x8FFFFFFF  }
0x9e: {  	s18 =	sld [smem:$0x3FDB];
	_ =	sdelay $0x1  }
0x9f: {  	s19 =	simm.s32 $_scs_section_size  }
0xa0: {  	s6 =	simm.s32 $_size__tile_overlayer_lowered;
	s7 =	simm.s32 $_tile_overlayer_lowered  }
0xa1: {  	s22 =	simm.s32 $0x1BFF;
	s21 =	sshll.u32 s7, $0x1;
	s4 =	sadd.s32 s19, s18  }
0xa2: {  	s8 =	simm.s32 $0x0;
	s20 =	sshll.u32 s6, $0x1;
	s6 =	sadd.s32 s21, s4  }
0xa3: {  	[timem:s8], [sflag:s22] =	dma.local [hbm:s6], s20  }
0xa4: {  	_ =	swait.ge [sflag:s22], s20  }
0xa5: {  	s5 =	ssub.s32 $0x0, s20;
	[sflag:s22] =	ssyncset.done $0x0  }
0xa6: {  	[sflag:s22] =	ssyncadd.s32 s5;
	_ =	sdelay $0x1  }
0xa7: {  	s23 =	simm.s32 $0x1B8B  }
0xa8: {  	_ =	swait.ge [sflag:s23], $0x1  }
0xa9: {  	[sflag:s23] =	ssyncset.done $0x0  }
0xaa: {  	s25 =	simm.s32 $0x1B8E;
	s24 =	sld [smem:$0x3FFE];
	[sflag:s23] =	ssyncadd.s32 $0xFFFFFFFF  }
0xab: {  	s26 =	simm.s32 $execute0_lowered;
	[smem:$0x3FD2] =	sst s25  }
0xac: {  	s6 =	sshll.u32 s26, $0x1;
	_ =	strace $0x80000046;
	[dreg:$0x1] =	wrdreg $0xFFFFFFFF  }
0xad: {  	s28 =	simm.s32 $_size_execute0_lowered;
	s4 =	sadd.s32 s4, s6;
	[dreg:$0x0] =	wrdreg $0x0  }
0xae: {  	s6 =	sshll.u32 s28, $0x1;
	[dreg:$0x2] =	wrdreg s4  }
0xaf: {  	[dreg:$0x3] =	wrdreg s6  }
0xb0: {  	[dreg:$0x4] =	wrdreg $0xC0  }
0xb1: {  	_ =	task [dreg:s8], $0x5FFFF  }
0xb2: {  	[dreg:$0x1] =	wrdreg $0xFFFFFFFF  }
0xb3: {  	[dreg:$0x0] =	wrdreg $0x60  }
0xb4: {  	[dreg:$0x2] =	wrdreg s15  }
0xb5: {  	[dreg:$0x3] =	wrdreg s24  }
0xb6: {  	[dreg:$0x4] =	wrdreg s16  }
0xb7: {  	[dreg:$0x5] =	wrdreg $0x9  }
0xb8: {  	_ =	task.clear_ibuf [dreg:s8], $0x6FFFF;
	_ =	strace $0x90000046  }
0xb9: {  	s29 =	simm.s32 $0x9;
	_ =	strace $0x80000048  }
0xba: {  	_ =	swait.ge [sflag:s29], $0x1  }
0xbb: {  	[sflag:s29] =	ssyncadd.s32 $0xFFFFFFFF  }
0xbc: {  	_ =	strace $0x90000048  }
0xbd: {  	_ =	sfence  }
0xbe: {  	s30 =	sld [smem:$0x0];
	_ =	sdelay $0x2  }
0xbf: {  	s31 =	sshll.u32 s1, $0xD;
	s1 =	sshrl.u32 s1, $0x2  }
0xc0: {  	s3 =	sand.u32 $0x4000, s31;
	s1 =	sadd.s32 s1, s30  }
0xc1: {  	s0 =	sor.u32 s3, s0;
	s1 =	sshll.u32 s1, $0x11  }
0xc2: {  	s0 =	sor.u32 s1, s0  }
0xc3: {  	s0 =	sadd.s32 $0x8F2B, s0  }
0xc4: {  	[sflag:s0] =	ssyncadd.remote.s32 $0x1  }
0xc5: {  	_ =	sfence.sel $0xFFFF  }
0xc6: {  	[dreg:$0x0] =	wrdreg $0xFFFFFFFF;
	(pc) =	sbr.abs _section_cstart, $3  }
0xc7: {  	[dreg:$0x1] =	wrdreg $0xFFFFFFFF  }
0xc8: {  	_ =	task.clear_ibuf [dreg:s8], $0x2FFFF;
	_ =	strace $0x9FFFFFFF  }
0xc9: {  	(tm) =	ssettm $0x7FFFFFFF  }
tec
execute0_lowered:
.L_overlay_start_1:
0x0: {  	(tag) =	ssettag $0x1  }
0x1: {  	s1 =	rddreg [dreg:$0x0]  }
0x2: {  	s4 =	rddreg [dreg:$0x1]  }
0x3: {  	s2 =	srdreg.scid;
	s5 =	rddreg [dreg:$0x2];
	s3 =	simm.s32 $0x0  }
0x4: {  	s0 =	stileid.u32;
	s15 =	simm.s32 $0x900;
	[smem:$0x7FF] =	sst s3  }
0x5: {  	s16 =	simm.s32 $0x1100;
	_ =	strace $0x80000047;
	[dreg:$0x8] =	wrdreg s15  }
0x6: {  	s17 =	simm.s32 $0x1900;
	s18 =	simm.s32 $0x2100;
	[dreg:$0x9] =	wrdreg s16  }
0x7: {  	s19 =	simm.s32 $0x2900;
	s20 =	simm.s32 $0x3100;
	[dreg:$0xa] =	wrdreg s17  }
0x8: {  	s21 =	simm.s32 $0x3900;
	s23 =	simm.s32 $0x4100;
	[dreg:$0xb] =	wrdreg s18  }
0x9: {  	s24 =	simm.s32 $0x4900;
	s25 =	simm.s32 $0x5100;
	[dreg:$0xc] =	wrdreg s19  }
0xa: {  	s26 =	simm.s32 $0x5900;
	s10 =	simm.s32 $0x7900;
	[dreg:$0xd] =	wrdreg s20  }
0xb: {  	s11 =	simm.s32 $0x80;
	s28 =	simm.s32 $0xF900;
	[dreg:$0xe] =	wrdreg s21  }
0xc: {  	s29 =	simm.s32 $0x1;
	s30 =	simm.s32 $0x2;
	[dreg:$0xf] =	wrdreg s23  }
0xd: {  	s31 =	simm.s32 $0x3;
	s2 =	sand.u32 $0x1, s2;
	[dreg:$0x10] =	wrdreg s24  }
0xe: {  	s6 =	sshll.u32 s0, $0x9;
	s7 =	sshll.u32 s2, $0x8;
	[dreg:$0x11] =	wrdreg s25  }
0xf: {  	s2 =	ssub.s32 $0x2, s2;
	[dreg:$0x12] =	wrdreg s26;
	s15 =	simm.s32 $0x9900  }
0x10: {  	s16 =	simm.s32 $0xA100;
	s17 =	simm.s32 $0xA900;
	s18 =	simm.s32 $0xB100  }
0x11: {  	s19 =	simm.s32 $0xB900;
	s20 =	simm.s32 $0xC100;
	s21 =	simm.s32 $0xC900  }
0x12: {  	s23 =	simm.s32 $0xD900;
	s24 =	simm.s32 $0xE100;
	s25 =	simm.s32 $0xE900  }
0x13: {  	s26 =	simm.s32 $0xF100;
	s6 =	sor.u32 s7, s6;
	s22 =	sshrl.u32 s2, $0x1  }
0x14: {  	s7 =	sshrl.u32 s6, $0x3;
	s8 =	sor.u32 $0x80, s6;
	s6 =	sshll.u32 s6, $0x5  }
0x15: {  	s2 =	ssub.s32 s2, s22;
	s22 =	simm.s32 $0xD100;
	s7 =	sadd.s32 s4, s7  }
0x16: {  	s9 =	sshrl.u32 s8, $0x3;
	s12 =	sadd.s32 s5, s6;
	s13 =	sshll.u32 s8, $0x5  }
0x17: {  	s6 =	simm.s32 $0x100;
	s8 =	simm.s32 $0x6900;
	[dreg:$0x4] =	wrdreg s7  }
0x18: {  	s4 =	sadd.s32 s4, s9;
	[dreg:$0x6] =	wrdreg s12;
	s14 =	sadd.s32 s5, s13  }
0x19: {  	v2 =	vlaneseq.u32;
	s5 =	simm.s32 $0x5;
	s9 =	simm.s32 $0x7100;
	[dreg:$0x5] =	wrdreg s4  }
0x1a: {  	vm0 =	vmmov $0xffff;
	v1 =	vshrl.u32 v2, $0x3;
	s12 =	simm.s32 $0x8100;
	s13 =	simm.s32 $0x8900;
	[dreg:$0x7] =	wrdreg s14  }
0x1b: {  	v0 =	vand.u32 $0x7, v2;
	v2 =	vor.u32 $0x8, v2;
	v1 =	vmul.u32 $0x8, v1;
	s4 =	smax.u32 s2, $0x1;
	s14 =	simm.s32 $0x9100;
	s2 =	simm.s32 $0x4  }
.LBB2_1:
0x1c: {  	s0 =	rddreg [dreg:$0x4]  }
0x1d: {  	[tilespmem:s3], [sflag:$0x5] =	stream.linear.gather [hbm4b:s0+s3], $0x80, $0x38;
	[tilespmem:$0x10100] =	vst v63  }
0x1e: {  	_ =	swait.ge [sflag:s5], $0x80  }
0x1f: {  	[sflag:s5] =	ssyncset.done $0x0  }
0x20: {  	[sflag:s5] =	ssyncadd.s32 $0xFFFFFF80  }
0x21: {  	v3 =	vld [tilespmem:$0x0];
	_ =	sdelay $0x4  }
0x22: {  	v4 =	vshll.u32 v3, $0x1  }
0x23: {  	v3 =	vand.u32 $0x7, v3;
	v4 =	vand.u32 $0xFFFFFFF0, v4  }
0x24: {  	v3 =	vor.u32 v3, v4  }
0x25: {  	v4 =	vperm.xlane v3, v0;
	_ =	sdelay $0x1  }
0x26: {  	v3 =	vperm.xlane v3, v2;
	v4 =	vadd.s32 v1, v4;
	_ =	sdelay $0x1  }
0x27: {  	v3 =	vadd.s32 v1, v3;
	_ =	sdelay $0x2  }
0x28: {  	[tilespmem:s6], [sflag:$0x1] =	stream.indirect_vreg.gather [hbm4b:s1+s3], $0x80, v4, vm0, $0xb8;
	[tilespmem:$0x10100] =	vst v63  }
0x29: {  	s7 =	rddreg [dreg:$0x8]  }
0x2a: {  	[tilespmem:s7], [sflag:$0x1] =	stream.indirect_vreg.gather [hbm4b:s1+s3], $0x80, v3, vm0, $0xb8;
	[tilespmem:$0x10100] =	vst v63  }
0x2b: {  	v3 =	vld [tilespmem:$0x10];
	_ =	sdelay $0x4  }
0x2c: {  	v49 =	vshll.u32 v3, $0x1  }
0x2d: {  	v3 =	vand.u32 $0x7, v3;
	v4 =	vand.u32 $0xFFFFFFF0, v49  }
0x2e: {  	v3 =	vor.u32 v3, v4  }
0x2f: {  	v4 =	vperm.xlane v3, v0;
	_ =	sdelay $0x1  }
0x30: {  	v3 =	vperm.xlane v3, v2;
	v4 =	vadd.s32 v1, v4;
	_ =	sdelay $0x1  }
0x31: {  	v3 =	vadd.s32 v1, v3;
	_ =	sdelay $0x1  }
0x32: {  	s0 =	rddreg [dreg:$0x9]  }
0x33: {  	[tilespmem:s0], [sflag:$0x1] =	stream.indirect_vreg.gather [hbm4b:s1+s3], $0x80, v4, vm0, $0xb8;
	[tilespmem:$0x10100] =	vst v63  }
0x34: {  	s7 =	rddreg [dreg:$0xa]  }
0x35: {  	[tilespmem:s7], [sflag:$0x1] =	stream.indirect_vreg.gather [hbm4b:s1+s3], $0x80, v3, vm0, $0xb8;
	[tilespmem:$0x10100] =	vst v63  }
0x36: {  	v3 =	vld [tilespmem:$0x20];
	_ =	sdelay $0x4  }
0x37: {  	v50 =	vshll.u32 v3, $0x1  }
0x38: {  	v3 =	vand.u32 $0x7, v3;
	v4 =	vand.u32 $0xFFFFFFF0, v50  }
0x39: {  	v3 =	vor.u32 v3, v4  }
0x3a: {  	v4 =	vperm.xlane v3, v0;
	_ =	sdelay $0x1  }
0x3b: {  	v3 =	vperm.xlane v3, v2;
	v4 =	vadd.s32 v1, v4;
	_ =	sdelay $0x1  }
0x3c: {  	v3 =	vadd.s32 v1, v3;
	_ =	sdelay $0x1  }
0x3d: {  	s0 =	rddreg [dreg:$0xb]  }
0x3e: {  	[tilespmem:s0], [sflag:$0x1] =	stream.indirect_vreg.gather [hbm4b:s1+s3], $0x80, v4, vm0, $0xb8;
	[tilespmem:$0x10100] =	vst v63  }
0x3f: {  	s7 =	rddreg [dreg:$0xc]  }
0x40: {  	[tilespmem:s7], [sflag:$0x1] =	stream.indirect_vreg.gather [hbm4b:s1+s3], $0x80, v3, vm0, $0xb8;
	[tilespmem:$0x10100] =	vst v63  }
0x41: {  	v3 =	vld [tilespmem:$0x30];
	_ =	sdelay $0x4  }
0x42: {  	v51 =	vshll.u32 v3, $0x1  }
0x43: {  	v3 =	vand.u32 $0x7, v3;
	v4 =	vand.u32 $0xFFFFFFF0, v51  }
0x44: {  	v3 =	vor.u32 v3, v4  }
0x45: {  	v4 =	vperm.xlane v3, v0;
	_ =	sdelay $0x1  }
0x46: {  	v3 =	vperm.xlane v3, v2;
	v4 =	vadd.s32 v1, v4;
	_ =	sdelay $0x1  }
0x47: {  	v3 =	vadd.s32 v1, v3;
	_ =	sdelay $0x1  }
0x48: {  	s0 =	rddreg [dreg:$0xd]  }
0x49: {  	[tilespmem:s0], [sflag:$0x1] =	stream.indirect_vreg.gather [hbm4b:s1+s3], $0x80, v4, vm0, $0xb8;
	[tilespmem:$0x10100] =	vst v63  }
0x4a: {  	s7 =	rddreg [dreg:$0xe]  }
0x4b: {  	[tilespmem:s7], [sflag:$0x1] =	stream.indirect_vreg.gather [hbm4b:s1+s3], $0x80, v3, vm0, $0xb8;
	[tilespmem:$0x10100] =	vst v63  }
0x4c: {  	v3 =	vld [tilespmem:$0x40];
	_ =	sdelay $0x4  }
0x4d: {  	v52 =	vshll.u32 v3, $0x1  }
0x4e: {  	v3 =	vand.u32 $0x7, v3;
	v4 =	vand.u32 $0xFFFFFFF0, v52  }
0x4f: {  	v3 =	vor.u32 v3, v4  }
0x50: {  	v4 =	vperm.xlane v3, v0;
	_ =	sdelay $0x1  }
0x51: {  	v3 =	vperm.xlane v3, v2;
	v4 =	vadd.s32 v1, v4;
	_ =	sdelay $0x1  }
0x52: {  	v3 =	vadd.s32 v1, v3;
	_ =	sdelay $0x1  }
0x53: {  	s0 =	rddreg [dreg:$0xf]  }
0x54: {  	[tilespmem:s0], [sflag:$0x1] =	stream.indirect_vreg.gather [hbm4b:s1+s3], $0x80, v4, vm0, $0xb8;
	[tilespmem:$0x10100] =	vst v63  }
0x55: {  	s7 =	rddreg [dreg:$0x10]  }
0x56: {  	[tilespmem:s7], [sflag:$0x1] =	stream.indirect_vreg.gather [hbm4b:s1+s3], $0x80, v3, vm0, $0xb8;
	[tilespmem:$0x10100] =	vst v63  }
0x57: {  	v3 =	vld [tilespmem:$0x50];
	_ =	sdelay $0x4  }
0x58: {  	v53 =	vshll.u32 v3, $0x1  }
0x59: {  	v3 =	vand.u32 $0x7, v3;
	v4 =	vand.u32 $0xFFFFFFF0, v53  }
0x5a: {  	v3 =	vor.u32 v3, v4  }
0x5b: {  	v4 =	vperm.xlane v3, v0;
	_ =	sdelay $0x1  }
0x5c: {  	v3 =	vperm.xlane v3, v2;
	v4 =	vadd.s32 v1, v4;
	_ =	sdelay $0x1  }
0x5d: {  	v3 =	vadd.s32 v1, v3;
	_ =	sdelay $0x1  }
0x5e: {  	s0 =	rddreg [dreg:$0x11]  }
0x5f: {  	[tilespmem:s0], [sflag:$0x1] =	stream.indirect_vreg.gather [hbm4b:s1+s3], $0x80, v4, vm0, $0xb8;
	[tilespmem:$0x10100] =	vst v63  }
0x60: {  	s7 =	rddreg [dreg:$0x12]  }
0x61: {  	[tilespmem:s7], [sflag:$0x1] =	stream.indirect_vreg.gather [hbm4b:s1+s3], $0x80, v3, vm0, $0xb8;
	[tilespmem:$0x10100] =	vst v63  }
0x62: {  	v3 =	vld [tilespmem:$0x60];
	_ =	sdelay $0x4  }
0x63: {  	v54 =	vshll.u32 v3, $0x1  }
0x64: {  	v3 =	vand.u32 $0x7, v3;
	v4 =	vand.u32 $0xFFFFFFF0, v54  }
0x65: {  	v3 =	vor.u32 v3, v4  }
0x66: {  	v4 =	vperm.xlane v3, v0;
	_ =	sdelay $0x1  }
0x67: {  	v3 =	vperm.xlane v3, v2;
	v4 =	vadd.s32 v1, v4;
	_ =	sdelay $0x1  }
0x68: {  	v3 =	vadd.s32 v1, v3;
	_ =	sdelay $0x1  }
0x69: {  	s7 =	simm.s32 $0x6100  }
0x6a: {  	[tilespmem:s7], [sflag:$0x1] =	stream.indirect_vreg.gather [hbm4b:s1+s3], $0x80, v4, vm0, $0xb8;
	[tilespmem:$0x10100] =	vst v63  }
0x6b: {  	_ = 	snop  }
0x6c: {  	[tilespmem:s8], [sflag:$0x1] =	stream.indirect_vreg.gather [hbm4b:s1+s3], $0x80, v3, vm0, $0xb8;
	[tilespmem:$0x10100] =	vst v63  }
0x6d: {  	v3 =	vld [tilespmem:$0x70];
	_ =	sdelay $0x4  }
0x6e: {  	v55 =	vshll.u32 v3, $0x1  }
0x6f: {  	v3 =	vand.u32 $0x7, v3;
	v4 =	vand.u32 $0xFFFFFFF0, v55  }
0x70: {  	v3 =	vor.u32 v3, v4  }
0x71: {  	v4 =	vperm.xlane v3, v0;
	_ =	sdelay $0x1  }
0x72: {  	v3 =	vperm.xlane v3, v2;
	v4 =	vadd.s32 v1, v4;
	_ =	sdelay $0x1  }
0x73: {  	v3 =	vadd.s32 v1, v3;
	_ =	sdelay $0x2  }
0x74: {  	[tilespmem:s9], [sflag:$0x1] =	stream.indirect_vreg.gather [hbm4b:s1+s3], $0x80, v4, vm0, $0xb8;
	[tilespmem:$0x10100] =	vst v63  }
0x75: {  	_ = 	snop  }
0x76: {  	[tilespmem:s10], [sflag:$0x1] =	stream.indirect_vreg.gather [hbm4b:s1+s3], $0x80, v3, vm0, $0xb8;
	[tilespmem:$0x10100] =	vst v63  }
0x77: {  	s7 =	rddreg [dreg:$0x5]  }
0x78: {  	[tilespmem:s11], [sflag:$0x5] =	stream.linear.gather [hbm4b:s7+s3], $0x80, $0x38;
	[tilespmem:$0x10100] =	vst v63  }
0x79: {  	_ =	swait.ge [sflag:s5], $0x80  }
0x7a: {  	[sflag:s5] =	ssyncset.done $0x0  }
0x7b: {  	[sflag:s5] =	ssyncadd.s32 $0xFFFFFF80  }
0x7c: {  	v3 =	vld [tilespmem:$0x80];
	_ =	sdelay $0x4  }
0x7d: {  	v56 =	vshll.u32 v3, $0x1  }
0x7e: {  	v3 =	vand.u32 $0x7, v3;
	v4 =	vand.u32 $0xFFFFFFF0, v56  }
0x7f: {  	v3 =	vor.u32 v3, v4  }
0x80: {  	v4 =	vperm.xlane v3, v0;
	_ =	sdelay $0x1  }
0x81: {  	v3 =	vperm.xlane v3, v2;
	v4 =	vadd.s32 v1, v4;
	_ =	sdelay $0x1  }
0x82: {  	v3 =	vadd.s32 v1, v3;
	_ =	sdelay $0x2  }
0x83: {  	[tilespmem:s12], [sflag:$0x2] =	stream.indirect_vreg.gather [hbm4b:s1+s3], $0x80, v4, vm0, $0xb8;
	[tilespmem:$0x10100] =	vst v63  }
0x84: {  	_ = 	snop  }
0x85: {  	[tilespmem:s13], [sflag:$0x2] =	stream.indirect_vreg.gather [hbm4b:s1+s3], $0x80, v3, vm0, $0xb8;
	[tilespmem:$0x10100] =	vst v63  }
0x86: {  	v3 =	vld [tilespmem:$0x90];
	_ =	sdelay $0x4  }
0x87: {  	v57 =	vshll.u32 v3, $0x1  }
0x88: {  	v3 =	vand.u32 $0x7, v3;
	v4 =	vand.u32 $0xFFFFFFF0, v57  }
0x89: {  	v3 =	vor.u32 v3, v4  }
0x8a: {  	v4 =	vperm.xlane v3, v0;
	_ =	sdelay $0x1  }
0x8b: {  	v3 =	vperm.xlane v3, v2;
	v4 =	vadd.s32 v1, v4;
	_ =	sdelay $0x1  }
0x8c: {  	v3 =	vadd.s32 v1, v3;
	_ =	sdelay $0x2  }
0x8d: {  	[tilespmem:s14], [sflag:$0x2] =	stream.indirect_vreg.gather [hbm4b:s1+s3], $0x80, v4, vm0, $0xb8;
	[tilespmem:$0x10100] =	vst v63  }
0x8e: {  	_ = 	snop  }
0x8f: {  	[tilespmem:s15], [sflag:$0x2] =	stream.indirect_vreg.gather [hbm4b:s1+s3], $0x80, v3, vm0, $0xb8;
	[tilespmem:$0x10100] =	vst v63  }
0x90: {  	v3 =	vld [tilespmem:$0xA0];
	_ =	sdelay $0x4  }
0x91: {  	v58 =	vshll.u32 v3, $0x1  }
0x92: {  	v3 =	vand.u32 $0x7, v3;
	v4 =	vand.u32 $0xFFFFFFF0, v58  }
0x93: {  	v3 =	vor.u32 v3, v4  }
0x94: {  	v4 =	vperm.xlane v3, v0;
	_ =	sdelay $0x1  }
0x95: {  	v3 =	vperm.xlane v3, v2;
	v4 =	vadd.s32 v1, v4;
	_ =	sdelay $0x1  }
0x96: {  	v3 =	vadd.s32 v1, v3;
	_ =	sdelay $0x2  }
0x97: {  	[tilespmem:s16], [sflag:$0x2] =	stream.indirect_vreg.gather [hbm4b:s1+s3], $0x80, v4, vm0, $0xb8;
	[tilespmem:$0x10100] =	vst v63  }
0x98: {  	_ = 	snop  }
0x99: {  	[tilespmem:s17], [sflag:$0x2] =	stream.indirect_vreg.gather [hbm4b:s1+s3], $0x80, v3, vm0, $0xb8;
	[tilespmem:$0x10100] =	vst v63  }
0x9a: {  	v3 =	vld [tilespmem:$0xB0];
	_ =	sdelay $0x4  }
0x9b: {  	v59 =	vshll.u32 v3, $0x1  }
0x9c: {  	v3 =	vand.u32 $0x7, v3;
	v4 =	vand.u32 $0xFFFFFFF0, v59  }
0x9d: {  	v3 =	vor.u32 v3, v4  }
0x9e: {  	v4 =	vperm.xlane v3, v0;
	_ =	sdelay $0x1  }
0x9f: {  	v3 =	vperm.xlane v3, v2;
	v4 =	vadd.s32 v1, v4;
	_ =	sdelay $0x1  }
0xa0: {  	v3 =	vadd.s32 v1, v3;
	_ =	sdelay $0x2  }
0xa1: {  	[tilespmem:s18], [sflag:$0x2] =	stream.indirect_vreg.gather [hbm4b:s1+s3], $0x80, v4, vm0, $0xb8;
	[tilespmem:$0x10100] =	vst v63  }
0xa2: {  	_ = 	snop  }
0xa3: {  	[tilespmem:s19], [sflag:$0x2] =	stream.indirect_vreg.gather [hbm4b:s1+s3], $0x80, v3, vm0, $0xb8;
	[tilespmem:$0x10100] =	vst v63  }
0xa4: {  	v3 =	vld [tilespmem:$0xC0];
	_ =	sdelay $0x4  }
0xa5: {  	v60 =	vshll.u32 v3, $0x1  }
0xa6: {  	v3 =	vand.u32 $0x7, v3;
	v4 =	vand.u32 $0xFFFFFFF0, v60  }
0xa7: {  	v3 =	vor.u32 v3, v4  }
0xa8: {  	v4 =	vperm.xlane v3, v0;
	_ =	sdelay $0x1  }
0xa9: {  	v3 =	vperm.xlane v3, v2;
	v4 =	vadd.s32 v1, v4;
	_ =	sdelay $0x1  }
0xaa: {  	v3 =	vadd.s32 v1, v3;
	_ =	sdelay $0x2  }
0xab: {  	[tilespmem:s20], [sflag:$0x2] =	stream.indirect_vreg.gather [hbm4b:s1+s3], $0x80, v4, vm0, $0xb8;
	[tilespmem:$0x10100] =	vst v63  }
0xac: {  	_ = 	snop  }
0xad: {  	[tilespmem:s21], [sflag:$0x2] =	stream.indirect_vreg.gather [hbm4b:s1+s3], $0x80, v3, vm0, $0xb8;
	[tilespmem:$0x10100] =	vst v63  }
0xae: {  	v3 =	vld [tilespmem:$0xD0];
	_ =	sdelay $0x4  }
0xaf: {  	v61 =	vshll.u32 v3, $0x1  }
0xb0: {  	v3 =	vand.u32 $0x7, v3;
	v4 =	vand.u32 $0xFFFFFFF0, v61  }
0xb1: {  	v3 =	vor.u32 v3, v4  }
0xb2: {  	v4 =	vperm.xlane v3, v0;
	_ =	sdelay $0x1  }
0xb3: {  	v3 =	vperm.xlane v3, v2;
	v4 =	vadd.s32 v1, v4;
	_ =	sdelay $0x1  }
0xb4: {  	v3 =	vadd.s32 v1, v3;
	_ =	sdelay $0x2  }
0xb5: {  	[tilespmem:s22], [sflag:$0x2] =	stream.indirect_vreg.gather [hbm4b:s1+s3], $0x80, v4, vm0, $0xb8;
	[tilespmem:$0x10100] =	vst v63  }
0xb6: {  	_ = 	snop  }
0xb7: {  	[tilespmem:s23], [sflag:$0x2] =	stream.indirect_vreg.gather [hbm4b:s1+s3], $0x80, v3, vm0, $0xb8;
	[tilespmem:$0x10100] =	vst v63  }
0xb8: {  	v3 =	vld [tilespmem:$0xE0];
	_ =	sdelay $0x4  }
0xb9: {  	v62 =	vshll.u32 v3, $0x1  }
0xba: {  	v3 =	vand.u32 $0x7, v3;
	v4 =	vand.u32 $0xFFFFFFF0, v62  }
0xbb: {  	v3 =	vor.u32 v3, v4  }
0xbc: {  	v4 =	vperm.xlane v3, v0;
	_ =	sdelay $0x1  }
0xbd: {  	v3 =	vperm.xlane v3, v2;
	v4 =	vadd.s32 v1, v4;
	_ =	sdelay $0x1  }
0xbe: {  	v3 =	vadd.s32 v1, v3;
	_ =	sdelay $0x2  }
0xbf: {  	[tilespmem:s24], [sflag:$0x2] =	stream.indirect_vreg.gather [hbm4b:s1+s3], $0x80, v4, vm0, $0xb8;
	[tilespmem:$0x10100] =	vst v63  }
0xc0: {  	_ = 	snop  }
0xc1: {  	[tilespmem:s25], [sflag:$0x2] =	stream.indirect_vreg.gather [hbm4b:s1+s3], $0x80, v3, vm0, $0xb8;
	[tilespmem:$0x10100] =	vst v63  }
0xc2: {  	v3 =	vld [tilespmem:$0xF0];
	_ =	sdelay $0x4  }
0xc3: {  	v63 =	vshll.u32 v3, $0x1  }
0xc4: {  	v3 =	vand.u32 $0x7, v3;
	v4 =	vand.u32 $0xFFFFFFF0, v63  }
0xc5: {  	v3 =	vor.u32 v3, v4  }
0xc6: {  	v4 =	vperm.xlane v3, v0;
	_ =	sdelay $0x1  }
0xc7: {  	v3 =	vperm.xlane v3, v2;
	v4 =	vadd.s32 v1, v4;
	_ =	sdelay $0x1  }
0xc8: {  	v3 =	vadd.s32 v1, v3;
	_ =	sdelay $0x2  }
0xc9: {  	[tilespmem:s26], [sflag:$0x2] =	stream.indirect_vreg.gather [hbm4b:s1+s3], $0x80, v4, vm0, $0xb8;
	[tilespmem:$0x10100] =	vst v63  }
0xca: {  	_ = 	snop  }
0xcb: {  	[tilespmem:s28], [sflag:$0x2] =	stream.indirect_vreg.gather [hbm4b:s1+s3], $0x80, v3, vm0, $0xb8;
	[tilespmem:$0x10100] =	vst v63  }
0xcc: {  	_ =	swait.ge [sflag:s29], $0x8000  }
0xcd: {  	[sflag:s29] =	ssyncset.done $0x0  }
0xce: {  	s7 =	rddreg [dreg:$0x6];
	[sflag:s29] =	ssyncadd.s32 $0xFFFF8000  }
0xcf: {  	[hbm4b:s7+s3] =	stream.linear.scatter [tilespmem:s6], [sflag:$0x3], $0x8000, $0x38;
	[tilespmem:$0x10100] =	vst v63  }
0xd0: {  	_ =	swait.ge [sflag:s30], $0x8000  }
0xd1: {  	[sflag:s30] =	ssyncset.done $0x0  }
0xd2: {  	s7 =	rddreg [dreg:$0x7];
	[sflag:s30] =	ssyncadd.s32 $0xFFFF8000  }
0xd3: {  	[hbm4b:s7+s3] =	stream.linear.scatter [tilespmem:s12], [sflag:$0x4], $0x8000, $0x38;
	[tilespmem:$0x10100] =	vst v63  }
0xd4: {  	p0 =	sne.s32 s4, $0x1;
	_ =	swait.ge [sflag:s31], $0x8000  }
.Ltmp0:
0xd5: {  	[sflag:s31] =	ssyncset.done $0x0;
	(pc) =	sbr.rel @p0 .LBB2_1-.Ltmp0, $4  }
0xd6: {  	[sflag:s31] =	ssyncadd.s32 $0xFFFF8000  }
0xd7: {  	_ =	swait.ge [sflag:s2], $0x8000  }
0xd8: {  	[sflag:s2] =	ssyncset.done $0x0  }
0xd9: {  	s4 =	sadd.s32 $0xFFFFFFFF, s4;
	[sflag:s2] =	ssyncadd.s32 $0xFFFF8000  }
0xda: {  	_ =	sfence.sel $0x180000  }
0xdb: {  	[bflag:$0x0] =	sbarrier.arrive $0xFFFF  }
0xdc: {  	_ =	strace $0x90000047  }
0xdd: {  	s0 =	stileid.u32;
	[bflag:$0x2] =	sbarrier.arrive $0xFFFF  }
0xde: {  	p0 =	sne.s32 s0, $0x0;
	s0 =	rddreg [dreg:$0x3]  }
0xdf: {  	s0 =	sadd.s32 @!p0 $0x100000, s0  }
0xe0: {  	[sflag:s0] =	ssyncadd.tile.s32 @!p0 $0x1;
	_ =	shalt  }
.Lfunc_end2:
_tile_overlayer_lowered:
.L_overlay_start_2:
0xe1: {  	(tag) =	ssettag $0x2  }
0xe2: {  	s0 =	rddreg [dreg:$0x0];
	s2 =	stileid.u32  }
0xe3: {  	s1 =	rddreg [dreg:$0x1];
	p0 =	sne.s32 s2, $0x0  }
0xe4: {  	s3 =	rddreg [dreg:$0x2];
	[bflag:$0x3] =	sbarrier.arrive $0xFFFF;
	s2 =	simm.s32 @!p0 $0x1C05  }
0xe5: {  	[timem:s3], [sflag:s2] =	dma.local @!p0 [hbm:s0], s1  }
0xe6: {  	s0 =	simm.s32 @!p0 $0x5  }
0xe7: {  	_ =	swait.ge @!p0 [sflag:s0], s1  }
0xe8: {  	s1 =	ssub.s32 @!p0 $0x0, s1;
	[sflag:s0] =	ssyncset.done @!p0 $0x0  }
0xe9: {  	[sflag:s0] =	ssyncadd.s32 @!p0 s1  }
0xea: {  	[bflag:$0x3] =	sbarrier.arrive $0xFFFF  }
0xeb: {  	_ =	shalt  }

</sc_bundles>
